<compile_context>
chip_gen: v7x
topology: tpu7x:2x2x1
jax: 0.10.2.dev20260603
libtpu: 0.0.44.dev20260713+nightly
codegen_flags: <defaults>
</compile_context>

<pallas_src>
import functools

import jax
import jax.numpy as jnp
from jax import lax
from jax.experimental import pallas as pl
from jax.experimental.pallas import tpu as pltpu
from jax.experimental.pallas import tpu_sc as plsc

_N_EMBED = 8192
_EMBED_DIM = 32
_COMMITMENT_COST = 0.25
_TB = 1024
_CB = 1024
_N_TOKENS = 8192
_GRID = _N_TOKENS // _TB
_NCHUNK = _N_EMBED // _CB

_NW = 32
_BPW = _N_TOKENS // _NW
_IDX_CHUNK = 128


def _vq_body(x_ref, w_ref, idx_ref, loss_ref):
    b = pl.program_id(0)
    f = x_ref[...]
    fb = f.astype(jnp.bfloat16)
    a2 = jnp.sum(f * f, axis=1, keepdims=True)

    chunk_v = []
    chunk_i = []
    for k in range(_NCHUNK):
        w_k = w_ref[pl.ds(k * _CB, _CB), :]
        m = jax.lax.dot_general(
            fb, w_k, (((1,), (1,)), ((), ())),
            preferred_element_type=jnp.float32)
        b2 = jnp.sum(w_k * w_k, axis=1)[None, :]
        v = -((a2 - 2.0 * m) + b2)
        cmax = jnp.max(v, axis=1, keepdims=True)
        lane = jax.lax.broadcasted_iota(jnp.int32, (_TB, _CB), 1) + k * _CB
        cidx = jnp.min(jnp.where(v == cmax, lane, jnp.int32(2**30)),
                       axis=1, keepdims=True)
        chunk_v.append(cmax)
        chunk_i.append(cidx)

    win_v = []
    win_i = []
    for w in range(_NCHUNK // 2):
        v0, i0 = chunk_v[2 * w], chunk_i[2 * w]
        v1, i1 = chunk_v[2 * w + 1], chunk_i[2 * w + 1]
        keep0 = v0 >= v1
        win_v.append(jnp.where(keep0, v0, v1))
        win_i.append(jnp.where(keep0, i0, i1))

    acc = win_v[0].astype(jnp.bfloat16).astype(jnp.float32)
    vsel = win_v[0]
    best_i = win_i[0]
    for w in range(1, _NCHUNK // 2):
        take = win_v[w] > acc
        acc = jnp.where(take,
                        win_v[w].astype(jnp.bfloat16).astype(jnp.float32),
                        acc)
        vsel = jnp.where(take, win_v[w], vsel)
        best_i = jnp.where(take, win_i[w], best_i)

    idx_ref[...] = best_i.reshape(1, 1, _TB)

    part = jnp.sum(-vsel, keepdims=True).reshape(1, 1)
    prev = jnp.where(b == 0, jnp.zeros((1, 1), jnp.float32), loss_ref[...])
    total = prev + part
    scale = _COMMITMENT_COST / jnp.float32(_N_TOKENS * _EMBED_DIM)
    loss_ref[...] = jnp.where(b == _GRID - 1, total * scale, total)


def _vq_argmin(xf, weight):
    return pl.pallas_call(
        _vq_body,
        grid=(_GRID,),
        in_specs=[
            pl.BlockSpec((_TB, _EMBED_DIM), lambda b: (b, 0)),
            pl.BlockSpec((_N_EMBED, _EMBED_DIM), lambda b: (0, 0)),
        ],
        out_specs=[
            pl.BlockSpec((1, 1, _TB), lambda b: (b, 0, 0)),
            pl.BlockSpec((1, 1), lambda b: (0, 0)),
        ],
        out_shape=[
            jax.ShapeDtypeStruct((_GRID, 1, _TB), jnp.int32),
            jax.ShapeDtypeStruct((1, 1), jnp.float32),
        ],
    )(xf, weight)


_SC_MESH = plsc.VectorSubcoreMesh(core_axis_name="c", subcore_axis_name="s")


@functools.partial(
    pl.kernel,
    mesh=_SC_MESH,
    out_type=jax.ShapeDtypeStruct((_N_TOKENS, _EMBED_DIM), jnp.float32),
    scratch_types=[
        pltpu.VMEM((_BPW // _IDX_CHUNK, _IDX_CHUNK), jnp.int32),
        pltpu.VMEM((_BPW, _EMBED_DIM), jnp.float32),
        pltpu.SemaphoreType.DMA,
    ],
    compiler_params=pltpu.CompilerParams(use_tc_tiling_on_sc=False),
)
def _sc_gather(table_hbm, idx_hbm, out_hbm, idx_v, rows_v, sem):
    wid = lax.axis_index("s") * 2 + lax.axis_index("c")
    pltpu.sync_copy(idx_hbm.at[wid], idx_v)
    for j in range(_BPW // _IDX_CHUNK):
        pltpu.async_copy(
            table_hbm.at[idx_v.at[j]],
            rows_v.at[pl.ds(j * _IDX_CHUNK, _IDX_CHUNK)],
            sem,
        ).wait()
    pltpu.sync_copy(rows_v, out_hbm.at[pl.ds(wid * _BPW, _BPW)])


def kernel(x, weight):
    x = x.astype(jnp.float32)
    b, c, h, w = x.shape
    xf = jnp.transpose(x, (0, 2, 3, 1)).reshape(-1, _EMBED_DIM)
    idx, loss = _vq_argmin(xf, weight)
    idx3 = idx.reshape(_NW, _BPW // _IDX_CHUNK, _IDX_CHUNK)
    q_flat = _sc_gather(weight, idx3)
    q = jnp.transpose(q_flat.reshape(b, h, w, c), (0, 3, 1, 2))
    return (q, loss[0, 0])

# --- scband reference (transcript-rebuilt; emitter-appended) ---
"""Pipeline reference for scband-quantizer-19731079757832 (READ-ONLY COPY).

The authoritative reference and input builder live on the scoring server;
editing this copy changes nothing except your own understanding.
"""

import jax, jax.numpy as jnp
import numpy as np

N_EMBED = 8192
EMBED_DIM = 32
COMMITMENT_COST = 0.25

def setup_inputs(seed: int = 0) -> dict:
    key = jax.random.key(seed)
    k1, k2 = jax.random.split(key)
    x = jax.random.normal(k1, (8, 32, 32, 32), dtype=jnp.float32)  # (b, c=embed_dim, h, w)
    weight = jax.random.normal(k2, (N_EMBED, EMBED_DIM), dtype=jnp.float32) * 0.02
    return {"x": x, "weight": weight}

def reference(x, weight):
    # eval-mode forward of Quantizer (EMA codebook update is training-only and skipped)
    x = x.astype(jnp.float32)
    b, c, h, w = x.shape
    flat_inputs = jnp.transpose(x, (0, 2, 3, 1)).reshape(-1, EMBED_DIM)
    distances = (flat_inputs ** 2).sum(axis=1, keepdims=True) \
        - 2.0 * jnp.matmul(flat_inputs, weight.T) \
        + (weight ** 2).sum(axis=1, keepdims=True).T
    embed_idx = jnp.argmax(-distances, axis=1)
    embed_idx = embed_idx.reshape(b, h, w)
    quantized = jnp.take(weight, embed_idx, axis=0)  # (b, h, w, d)
    quantized = jnp.transpose(quantized, (0, 3, 1, 2))  # (b, d, h, w)
    latent_loss = COMMITMENT_COST * jnp.mean((jax.lax.stop_gradient(quantized) - x) ** 2)
    quantized_st = jax.lax.stop_gradient(quantized - x) + x
    return (quantized_st, latent_loss)

if __name__ == "__main__":
    import jax
    _d = setup_inputs()
    print(jax.jit(kernel)(*tuple(_d.values())))

</pallas_src>

<mosaic_0001>
#map = affine_map<(d0, d1) -> (0, 0)>
#map1 = affine_map<(d0, d1) -> (0, 0, 0)>
module attributes {stable_mosaic.version = 14 : i64} {
  func.func @_sc_gather(%arg0: i32, %arg1: i32, %arg2: memref<8192x32xf32, #tpu.memory_space<hbm>>, %arg3: memref<32x2x128xi32, #tpu.memory_space<hbm>>, %arg4: memref<8192x32xf32, #tpu.memory_space<hbm>>, %arg5: memref<2x128xi32, #tpu.memory_space<vmem>>, %arg6: memref<256x32xf32, #tpu.memory_space<vmem>>, %arg7: memref<!tpu.dma_semaphore, #tpu.memory_space<semaphore_mem>>) attributes {dimension_semantics = [#tpu.dimension_semantics<core_parallel>, #tpu.dimension_semantics<subcore_parallel>], iteration_bounds = array<i64: 2, 16>, scalar_prefetch = 0 : i64, scratch_operands = 3 : i64, tpu.core_type = #tpu.core_type<sc_vector_subcore>, window_params = [{transform_indices = #map}, {transform_indices = #map1}, {transform_indices = #map}]} {
    %mul3A = arith.constant 2 : i32
    %mul3A_0 = arith.muli %arg1, %mul3A : i32
    %add3A = arith.addi %mul3A_0, %arg0 : i32
    "tpu.region"() ({
      %run_scoped3A = tpu.sem_alloc : memref<!tpu.dma_semaphore, #tpu.memory_space<semaphore_mem>>
      %dma_start3A_41 = arith.constant 0 : i32
      %dma_start3A_42 = arith.constant 0 : i32
      %dma_start3A_43 = tpu.memref_slice %arg3[%add3A, %dma_start3A_41, %dma_start3A_42] : memref<32x2x128xi32, #tpu.memory_space<hbm>> -> memref<1x2x128xi32, #tpu.memory_space<hbm>>
      %dma_start3A_44 = tpu.memref_squeeze %dma_start3A_43 : memref<1x2x128xi32, #tpu.memory_space<hbm>> -> memref<2x128xi32, #tpu.memory_space<hbm>>
      %dma_start3A_45 = arith.constant 0 : i32
      %dma_start3A_46 = arith.constant 0 : i32
      %dma_start3A_47 = tpu.memref_slice %arg3[%add3A, %dma_start3A_45, %dma_start3A_46] : memref<32x2x128xi32, #tpu.memory_space<hbm>> -> memref<1x2x128xi32, #tpu.memory_space<hbm>>
      %dma_start3A_48 = tpu.memref_squeeze %dma_start3A_47 : memref<1x2x128xi32, #tpu.memory_space<hbm>> -> memref<2x128xi32, #tpu.memory_space<hbm>>
      tpu.enqueue_dma source(%dma_start3A_48 : memref<2x128xi32, #tpu.memory_space<hbm>>) target(%arg5 : memref<2x128xi32, #tpu.memory_space<vmem>>) target_semaphore(%run_scoped3A : memref<!tpu.dma_semaphore, #tpu.memory_space<semaphore_mem>>)
      %dma_wait3A_49 = arith.constant 0 : i32
      %dma_wait3A_50 = arith.constant 0 : i32
      %dma_wait3A_51 = tpu.memref_slice %arg3[%add3A, %dma_wait3A_49, %dma_wait3A_50] : memref<32x2x128xi32, #tpu.memory_space<hbm>> -> memref<1x2x128xi32, #tpu.memory_space<hbm>>
      %dma_wait3A_52 = tpu.memref_squeeze %dma_wait3A_51 : memref<1x2x128xi32, #tpu.memory_space<hbm>> -> memref<2x128xi32, #tpu.memory_space<hbm>>
      %dma_wait3A_53 = arith.constant 0 : i32
      %dma_wait3A_54 = arith.constant 0 : i32
      %dma_wait3A_55 = tpu.memref_slice %arg3[%add3A, %dma_wait3A_53, %dma_wait3A_54] : memref<32x2x128xi32, #tpu.memory_space<hbm>> -> memref<1x2x128xi32, #tpu.memory_space<hbm>>
      %dma_wait3A_56 = tpu.memref_squeeze %dma_wait3A_55 : memref<1x2x128xi32, #tpu.memory_space<hbm>> -> memref<2x128xi32, #tpu.memory_space<hbm>>
      tpu.wait_dma2 semaphore(%run_scoped3A : memref<!tpu.dma_semaphore, #tpu.memory_space<semaphore_mem>>) src(%dma_wait3A_56 : memref<2x128xi32, #tpu.memory_space<hbm>>) dst(%arg5 : memref<2x128xi32, #tpu.memory_space<vmem>>)
      tpu.yield
    }) : () -> ()
    %dma_start3A = arith.constant 0 : i32
    %dma_start3A_1 = arith.constant 0 : i32
    %dma_start3A_2 = arith.constant 0 : i32
    %dma_start3A_3 = tpu.memref_slice %arg6[%dma_start3A_1, %dma_start3A_2] : memref<256x32xf32, #tpu.memory_space<vmem>> -> memref<128x32xf32, #tpu.memory_space<vmem>>
    %dma_start3A_4 = arith.constant 0 : i32
    %dma_start3A_5 = tpu.memref_slice %arg5[%dma_start3A, %dma_start3A_4] : memref<2x128xi32, #tpu.memory_space<vmem>> -> memref<1x128xi32, #tpu.memory_space<vmem>>
    %dma_start3A_6 = tpu.memref_squeeze %dma_start3A_5 : memref<1x128xi32, #tpu.memory_space<vmem>> -> memref<128xi32, #tpu.memory_space<vmem>>
    %dma_start3A_7 = arith.constant 0 : i32
    %dma_start3A_8 = arith.constant 0 : i32
    %dma_start3A_9 = tpu.memref_slice %arg2[%dma_start3A_7, %dma_start3A_8] : memref<8192x32xf32, #tpu.memory_space<hbm>> -> memref<8192x32xf32, #tpu.memory_space<hbm>>
    tpu.enqueue_indirect_dma source(%dma_start3A_9 : memref<8192x32xf32, #tpu.memory_space<hbm>>) target(%dma_start3A_3 : memref<128x32xf32, #tpu.memory_space<vmem>>) offsets(%dma_start3A_6 : memref<128xi32, #tpu.memory_space<vmem>>) semaphore(%arg7 : memref<!tpu.dma_semaphore, #tpu.memory_space<semaphore_mem>>)
    %dma_wait3A = arith.constant 0 : i32
    %dma_wait3A_10 = arith.constant 0 : i32
    %dma_wait3A_11 = arith.constant 0 : i32
    %dma_wait3A_12 = tpu.memref_slice %arg6[%dma_wait3A_10, %dma_wait3A_11] : memref<256x32xf32, #tpu.memory_space<vmem>> -> memref<128x32xf32, #tpu.memory_space<vmem>>
    %dma_wait3A_13 = arith.constant 0 : i32
    %dma_wait3A_14 = tpu.memref_slice %arg5[%dma_wait3A, %dma_wait3A_13] : memref<2x128xi32, #tpu.memory_space<vmem>> -> memref<1x128xi32, #tpu.memory_space<vmem>>
    %dma_wait3A_15 = tpu.memref_squeeze %dma_wait3A_14 : memref<1x128xi32, #tpu.memory_space<vmem>> -> memref<128xi32, #tpu.memory_space<vmem>>
    %dma_wait3A_16 = arith.constant 0 : i32
    %dma_wait3A_17 = arith.constant 0 : i32
    %dma_wait3A_18 = tpu.memref_slice %arg2[%dma_wait3A_16, %dma_wait3A_17] : memref<8192x32xf32, #tpu.memory_space<hbm>> -> memref<8192x32xf32, #tpu.memory_space<hbm>>
    tpu.wait_indirect_dma semaphore(%arg7 : memref<!tpu.dma_semaphore, #tpu.memory_space<semaphore_mem>>) src(%dma_wait3A_18 : memref<8192x32xf32, #tpu.memory_space<hbm>>) dst(%dma_wait3A_12 : memref<128x32xf32, #tpu.memory_space<vmem>>)
    %dma_start3A_19 = arith.constant 1 : i32
    %dma_start3A_20 = arith.constant 128 : i32
    %dma_start3A_21 = arith.constant 0 : i32
    %dma_start3A_22 = tpu.memref_slice %arg6[%dma_start3A_20, %dma_start3A_21] : memref<256x32xf32, #tpu.memory_space<vmem>> -> memref<128x32xf32, #tpu.memory_space<vmem>>
    %dma_start3A_23 = arith.constant 0 : i32
    %dma_start3A_24 = tpu.memref_slice %arg5[%dma_start3A_19, %dma_start3A_23] : memref<2x128xi32, #tpu.memory_space<vmem>> -> memref<1x128xi32, #tpu.memory_space<vmem>>
    %dma_start3A_25 = tpu.memref_squeeze %dma_start3A_24 : memref<1x128xi32, #tpu.memory_space<vmem>> -> memref<128xi32, #tpu.memory_space<vmem>>
    %dma_start3A_26 = arith.constant 0 : i32
    %dma_start3A_27 = arith.constant 0 : i32
    %dma_start3A_28 = tpu.memref_slice %arg2[%dma_start3A_26, %dma_start3A_27] : memref<8192x32xf32, #tpu.memory_space<hbm>> -> memref<8192x32xf32, #tpu.memory_space<hbm>>
    tpu.enqueue_indirect_dma source(%dma_start3A_28 : memref<8192x32xf32, #tpu.memory_space<hbm>>) target(%dma_start3A_22 : memref<128x32xf32, #tpu.memory_space<vmem>>) offsets(%dma_start3A_25 : memref<128xi32, #tpu.memory_space<vmem>>) semaphore(%arg7 : memref<!tpu.dma_semaphore, #tpu.memory_space<semaphore_mem>>)
    %dma_wait3A_29 = arith.constant 1 : i32
    %dma_wait3A_30 = arith.constant 128 : i32
    %dma_wait3A_31 = arith.constant 0 : i32
    %dma_wait3A_32 = tpu.memref_slice %arg6[%dma_wait3A_30, %dma_wait3A_31] : memref<256x32xf32, #tpu.memory_space<vmem>> -> memref<128x32xf32, #tpu.memory_space<vmem>>
    %dma_wait3A_33 = arith.constant 0 : i32
    %dma_wait3A_34 = tpu.memref_slice %arg5[%dma_wait3A_29, %dma_wait3A_33] : memref<2x128xi32, #tpu.memory_space<vmem>> -> memref<1x128xi32, #tpu.memory_space<vmem>>
    %dma_wait3A_35 = tpu.memref_squeeze %dma_wait3A_34 : memref<1x128xi32, #tpu.memory_space<vmem>> -> memref<128xi32, #tpu.memory_space<vmem>>
    %dma_wait3A_36 = arith.constant 0 : i32
    %dma_wait3A_37 = arith.constant 0 : i32
    %dma_wait3A_38 = tpu.memref_slice %arg2[%dma_wait3A_36, %dma_wait3A_37] : memref<8192x32xf32, #tpu.memory_space<hbm>> -> memref<8192x32xf32, #tpu.memory_space<hbm>>
    tpu.wait_indirect_dma semaphore(%arg7 : memref<!tpu.dma_semaphore, #tpu.memory_space<semaphore_mem>>) src(%dma_wait3A_38 : memref<8192x32xf32, #tpu.memory_space<hbm>>) dst(%dma_wait3A_32 : memref<128x32xf32, #tpu.memory_space<vmem>>)
    %mul3A_39 = arith.constant 256 : i32
    %mul3A_40 = arith.muli %add3A, %mul3A_39 : i32
    "tpu.region"() ({
      %run_scoped3A = tpu.sem_alloc : memref<!tpu.dma_semaphore, #tpu.memory_space<semaphore_mem>>
      %dma_start3A_41 = arith.constant 0 : i32
      %dma_start3A_42 = tpu.memref_slice %arg4[%mul3A_40, %dma_start3A_41] : memref<8192x32xf32, #tpu.memory_space<hbm>> -> memref<256x32xf32, #tpu.memory_space<hbm>>
      %dma_start3A_43 = arith.constant 0 : i32
      %dma_start3A_44 = tpu.memref_slice %arg4[%mul3A_40, %dma_start3A_43] : memref<8192x32xf32, #tpu.memory_space<hbm>> -> memref<256x32xf32, #tpu.memory_space<hbm>>
      tpu.enqueue_dma source(%arg6 : memref<256x32xf32, #tpu.memory_space<vmem>>) target(%dma_start3A_44 : memref<256x32xf32, #tpu.memory_space<hbm>>) target_semaphore(%run_scoped3A : memref<!tpu.dma_semaphore, #tpu.memory_space<semaphore_mem>>)
      %dma_wait3A_45 = arith.constant 0 : i32
      %dma_wait3A_46 = tpu.memref_slice %arg4[%mul3A_40, %dma_wait3A_45] : memref<8192x32xf32, #tpu.memory_space<hbm>> -> memref<256x32xf32, #tpu.memory_space<hbm>>
      %dma_wait3A_47 = arith.constant 0 : i32
      %dma_wait3A_48 = tpu.memref_slice %arg4[%mul3A_40, %dma_wait3A_47] : memref<8192x32xf32, #tpu.memory_space<hbm>> -> memref<256x32xf32, #tpu.memory_space<hbm>>
      tpu.wait_dma2 semaphore(%run_scoped3A : memref<!tpu.dma_semaphore, #tpu.memory_space<semaphore_mem>>) src(%arg6 : memref<256x32xf32, #tpu.memory_space<vmem>>) dst(%dma_wait3A_48 : memref<256x32xf32, #tpu.memory_space<hbm>>)
      tpu.yield
    }) : () -> ()
    return
  }
}

module attributes {stable_mosaic.version = 14 : i64} {
  func.func @_vq_body(%arg0: i32, %arg1: memref<1024x32xf32, #tpu.memory_space<vmem>>, %arg2: memref<8192x32xf32, #tpu.memory_space<vmem>>, %arg3: memref<1x1x1024xi32, #tpu.memory_space<vmem>>, %arg4: memref<1x1xf32, #tpu.memory_space<vmem>>) attributes {dimension_semantics = [#tpu.dimension_semantics<arbitrary>], iteration_bounds = array<i64: 8>, scalar_prefetch = 0 : i64, scratch_operands = 0 : i64, tpu.core_type = #tpu.core_type<tc>, window_params = [{transform_indices = @transform_0, window_bounds = array<i64: 1024, 32>}, {pipeline_mode = #tpu.pipeline_mode<synchronous>, transform_indices = @transform_1, window_bounds = array<i64: 8192, 32>}, {transform_indices = @transform_2, window_bounds = array<i64: 1, 1, 1024>}, {pipeline_mode = #tpu.pipeline_mode<synchronous>, transform_indices = @transform_3, window_bounds = array<i64: 1, 1>}]} {
    %get3A = arith.constant 0 : index
    %get3A_0 = arith.constant 0 : index
    %get3A_1 = vector.load %arg1[%get3A, %get3A_0] : memref<1024x32xf32, #tpu.memory_space<vmem>>, vector<1024x32xf32>
    %convert_element_type3A = arith.truncf %get3A_1 : vector<1024x32xf32> to vector<1024x32xbf16>
    %mul3A = arith.mulf %get3A_1, %get3A_1 : vector<1024x32xf32>
    %reduce_sum3A = arith.constant dense<0.000000e+00> : vector<1024xf32>
    %reduce_sum3A_2 = vector.multi_reduction <add>, %mul3A, %reduce_sum3A [1] : vector<1024x32xf32> to vector<1024xf32>
    %broadcast_in_dim3A = vector.shape_cast %reduce_sum3A_2 : vector<1024xf32> to vector<1024x1xf32>
    %get3A_3 = arith.constant 0 : index
    %get3A_4 = arith.constant 0 : index
    %get3A_5 = vector.load %arg2[%get3A_3, %get3A_4] : memref<8192x32xf32, #tpu.memory_space<vmem>>, vector<1024x32xf32>
    %dot_general3A = arith.constant dense<0.000000e+00> : vector<1024x1024xf32>
    %dot_general3A_6 = tpu.matmul %convert_element_type3A, %get3A_5, %dot_general3A {dimension_numbers = #tpu.dot_dimension_numbers<[1], [1], [0], [0], [0, 0, 1, 0], [], []>, transpose_lhs_hint = false} : vector<1024x32xbf16>, vector<1024x32xf32>, vector<1024x1024xf32> -> vector<1024x1024xf32>
    %mul3A_7 = arith.mulf %get3A_5, %get3A_5 : vector<1024x32xf32>
    %reduce_sum3A_8 = arith.constant dense<0.000000e+00> : vector<1024xf32>
    %reduce_sum3A_9 = vector.multi_reduction <add>, %mul3A_7, %reduce_sum3A_8 [1] : vector<1024x32xf32> to vector<1024xf32>
    %broadcast_in_dim3A_10 = vector.shape_cast %reduce_sum3A_9 : vector<1024xf32> to vector<1x1024xf32>
    %mul3A_11 = arith.constant 2.000000e+00 : f32
    %mul3A_12 = vector.broadcast %mul3A_11 : f32 to vector<1024x1024xf32>
    %mul3A_13 = arith.mulf %mul3A_12, %dot_general3A_6 : vector<1024x1024xf32>
    %sub3A = vector.broadcast %broadcast_in_dim3A : vector<1024x1xf32> to vector<1024x1024xf32>
    %sub3A_14 = arith.subf %sub3A, %mul3A_13 : vector<1024x1024xf32>
    %add3A = vector.broadcast %broadcast_in_dim3A_10 : vector<1x1024xf32> to vector<1024x1024xf32>
    %add3A_15 = arith.addf %sub3A_14, %add3A : vector<1024x1024xf32>
    %neg3A = arith.constant 0.000000e+00 : f32
    %neg3A_16 = vector.broadcast %neg3A : f32 to vector<1024x1024xf32>
    %neg3A_17 = arith.subf %neg3A_16, %add3A_15 : vector<1024x1024xf32>
    %reduce_max3A = arith.constant dense<0xFF800000> : vector<1024xf32>
    %reduce_max3A_18 = vector.multi_reduction <maximumf>, %neg3A_17, %reduce_max3A [1] : vector<1024x1024xf32> to vector<1024xf32>
    %broadcast_in_dim3A_19 = vector.shape_cast %reduce_max3A_18 : vector<1024xf32> to vector<1024x1xf32>
    %iota3A = tpu.iota {dimensions = array<i32: 1>} : vector<1024x1024xi32>
    %add3A_20 = arith.constant 0 : i32
    %add3A_21 = vector.broadcast %add3A_20 : i32 to vector<1024x1024xi32>
    %add3A_22 = arith.addi %iota3A, %add3A_21 : vector<1024x1024xi32>
    %eq3A = vector.broadcast %broadcast_in_dim3A_19 : vector<1024x1xf32> to vector<1024x1024xf32>
    %eq3A_23 = arith.cmpf oeq, %neg3A_17, %eq3A : vector<1024x1024xf32>
    %jit3A = arith.constant 1073741824 : i32
    %broadcast_in_dim3A_24 = vector.broadcast %jit3A : i32 to vector<1024x1024xi32>
    %select_n3A = arith.select %eq3A_23, %add3A_22, %broadcast_in_dim3A_24 : vector<1024x1024xi1>, vector<1024x1024xi32>
    %reduce_min3A = arith.constant dense<2147483647> : vector<1024xi32>
    %reduce_min3A_25 = vector.multi_reduction <minsi>, %select_n3A, %reduce_min3A [1] : vector<1024x1024xi32> to vector<1024xi32>
    %broadcast_in_dim3A_26 = vector.shape_cast %reduce_min3A_25 : vector<1024xi32> to vector<1024x1xi32>
    %get3A_27 = arith.constant 1024 : index
    %get3A_28 = arith.constant 0 : index
    %get3A_29 = vector.load %arg2[%get3A_27, %get3A_28] : memref<8192x32xf32, #tpu.memory_space<vmem>>, vector<1024x32xf32>
    %dot_general3A_30 = arith.constant dense<0.000000e+00> : vector<1024x1024xf32>
    %dot_general3A_31 = tpu.matmul %convert_element_type3A, %get3A_29, %dot_general3A_30 {dimension_numbers = #tpu.dot_dimension_numbers<[1], [1], [0], [0], [0, 0, 1, 0], [], []>, transpose_lhs_hint = false} : vector<1024x32xbf16>, vector<1024x32xf32>, vector<1024x1024xf32> -> vector<1024x1024xf32>
    %mul3A_32 = arith.mulf %get3A_29, %get3A_29 : vector<1024x32xf32>
    %reduce_sum3A_33 = arith.constant dense<0.000000e+00> : vector<1024xf32>
    %reduce_sum3A_34 = vector.multi_reduction <add>, %mul3A_32, %reduce_sum3A_33 [1] : vector<1024x32xf32> to vector<1024xf32>
    %broadcast_in_dim3A_35 = vector.shape_cast %reduce_sum3A_34 : vector<1024xf32> to vector<1x1024xf32>
    %mul3A_36 = arith.constant 2.000000e+00 : f32
    %mul3A_37 = vector.broadcast %mul3A_36 : f32 to vector<1024x1024xf32>
    %mul3A_38 = arith.mulf %mul3A_37, %dot_general3A_31 : vector<1024x1024xf32>
    %sub3A_39 = vector.broadcast %broadcast_in_dim3A : vector<1024x1xf32> to vector<1024x1024xf32>
    %sub3A_40 = arith.subf %sub3A_39, %mul3A_38 : vector<1024x1024xf32>
    %add3A_41 = vector.broadcast %broadcast_in_dim3A_35 : vector<1x1024xf32> to vector<1024x1024xf32>
    %add3A_42 = arith.addf %sub3A_40, %add3A_41 : vector<1024x1024xf32>
    %neg3A_43 = arith.constant 0.000000e+00 : f32
    %neg3A_44 = vector.broadcast %neg3A_43 : f32 to vector<1024x1024xf32>
    %neg3A_45 = arith.subf %neg3A_44, %add3A_42 : vector<1024x1024xf32>
    %reduce_max3A_46 = arith.constant dense<0xFF800000> : vector<1024xf32>
    %reduce_max3A_47 = vector.multi_reduction <maximumf>, %neg3A_45, %reduce_max3A_46 [1] : vector<1024x1024xf32> to vector<1024xf32>
    %broadcast_in_dim3A_48 = vector.shape_cast %reduce_max3A_47 : vector<1024xf32> to vector<1024x1xf32>
    %iota3A_49 = tpu.iota {dimensions = array<i32: 1>} : vector<1024x1024xi32>
    %add3A_50 = arith.constant 1024 : i32
    %add3A_51 = vector.broadcast %add3A_50 : i32 to vector<1024x1024xi32>
    %add3A_52 = arith.addi %iota3A_49, %add3A_51 : vector<1024x1024xi32>
    %eq3A_53 = vector.broadcast %broadcast_in_dim3A_48 : vector<1024x1xf32> to vector<1024x1024xf32>
    %eq3A_54 = arith.cmpf oeq, %neg3A_45, %eq3A_53 : vector<1024x1024xf32>
    %jit3A_55 = arith.constant 1073741824 : i32
    %broadcast_in_dim3A_56 = vector.broadcast %jit3A_55 : i32 to vector<1024x1024xi32>
    %select_n3A_57 = arith.select %eq3A_54, %add3A_52, %broadcast_in_dim3A_56 : vector<1024x1024xi1>, vector<1024x1024xi32>
    %reduce_min3A_58 = arith.constant dense<2147483647> : vector<1024xi32>
    %reduce_min3A_59 = vector.multi_reduction <minsi>, %select_n3A_57, %reduce_min3A_58 [1] : vector<1024x1024xi32> to vector<1024xi32>
    %broadcast_in_dim3A_60 = vector.shape_cast %reduce_min3A_59 : vector<1024xi32> to vector<1024x1xi32>
    %get3A_61 = arith.constant 2048 : index
    %get3A_62 = arith.constant 0 : index
    %get3A_63 = vector.load %arg2[%get3A_61, %get3A_62] : memref<8192x32xf32, #tpu.memory_space<vmem>>, vector<1024x32xf32>
    %dot_general3A_64 = arith.constant dense<0.000000e+00> : vector<1024x1024xf32>
    %dot_general3A_65 = tpu.matmul %convert_element_type3A, %get3A_63, %dot_general3A_64 {dimension_numbers = #tpu.dot_dimension_numbers<[1], [1], [0], [0], [0, 0, 1, 0], [], []>, transpose_lhs_hint = false} : vector<1024x32xbf16>, vector<1024x32xf32>, vector<1024x1024xf32> -> vector<1024x1024xf32>
    %mul3A_66 = arith.mulf %get3A_63, %get3A_63 : vector<1024x32xf32>
    %reduce_sum3A_67 = arith.constant dense<0.000000e+00> : vector<1024xf32>
    %reduce_sum3A_68 = vector.multi_reduction <add>, %mul3A_66, %reduce_sum3A_67 [1] : vector<1024x32xf32> to vector<1024xf32>
    %broadcast_in_dim3A_69 = vector.shape_cast %reduce_sum3A_68 : vector<1024xf32> to vector<1x1024xf32>
    %mul3A_70 = arith.constant 2.000000e+00 : f32
    %mul3A_71 = vector.broadcast %mul3A_70 : f32 to vector<1024x1024xf32>
    %mul3A_72 = arith.mulf %mul3A_71, %dot_general3A_65 : vector<1024x1024xf32>
    %sub3A_73 = vector.broadcast %broadcast_in_dim3A : vector<1024x1xf32> to vector<1024x1024xf32>
    %sub3A_74 = arith.subf %sub3A_73, %mul3A_72 : vector<1024x1024xf32>
    %add3A_75 = vector.broadcast %broadcast_in_dim3A_69 : vector<1x1024xf32> to vector<1024x1024xf32>
    %add3A_76 = arith.addf %sub3A_74, %add3A_75 : vector<1024x1024xf32>
    %neg3A_77 = arith.constant 0.000000e+00 : f32
    %neg3A_78 = vector.broadcast %neg3A_77 : f32 to vector<1024x1024xf32>
    %neg3A_79 = arith.subf %neg3A_78, %add3A_76 : vector<1024x1024xf32>
    %reduce_max3A_80 = arith.constant dense<0xFF800000> : vector<1024xf32>
    %reduce_max3A_81 = vector.multi_reduction <maximumf>, %neg3A_79, %reduce_max3A_80 [1] : vector<1024x1024xf32> to vector<1024xf32>
    %broadcast_in_dim3A_82 = vector.shape_cast %reduce_max3A_81 : vector<1024xf32> to vector<1024x1xf32>
    %iota3A_83 = tpu.iota {dimensions = array<i32: 1>} : vector<1024x1024xi32>
    %add3A_84 = arith.constant 2048 : i32
    %add3A_85 = vector.broadcast %add3A_84 : i32 to vector<1024x1024xi32>
    %add3A_86 = arith.addi %iota3A_83, %add3A_85 : vector<1024x1024xi32>
    %eq3A_87 = vector.broadcast %broadcast_in_dim3A_82 : vector<1024x1xf32> to vector<1024x1024xf32>
    %eq3A_88 = arith.cmpf oeq, %neg3A_79, %eq3A_87 : vector<1024x1024xf32>
    %jit3A_89 = arith.constant 1073741824 : i32
    %broadcast_in_dim3A_90 = vector.broadcast %jit3A_89 : i32 to vector<1024x1024xi32>
    %select_n3A_91 = arith.select %eq3A_88, %add3A_86, %broadcast_in_dim3A_90 : vector<1024x1024xi1>, vector<1024x1024xi32>
    %reduce_min3A_92 = arith.constant dense<2147483647> : vector<1024xi32>
    %reduce_min3A_93 = vector.multi_reduction <minsi>, %select_n3A_91, %reduce_min3A_92 [1] : vector<1024x1024xi32> to vector<1024xi32>
    %broadcast_in_dim3A_94 = vector.shape_cast %reduce_min3A_93 : vector<1024xi32> to vector<1024x1xi32>
    %get3A_95 = arith.constant 3072 : index
    %get3A_96 = arith.constant 0 : index
    %get3A_97 = vector.load %arg2[%get3A_95, %get3A_96] : memref<8192x32xf32, #tpu.memory_space<vmem>>, vector<1024x32xf32>
    %dot_general3A_98 = arith.constant dense<0.000000e+00> : vector<1024x1024xf32>
    %dot_general3A_99 = tpu.matmul %convert_element_type3A, %get3A_97, %dot_general3A_98 {dimension_numbers = #tpu.dot_dimension_numbers<[1], [1], [0], [0], [0, 0, 1, 0], [], []>, transpose_lhs_hint = false} : vector<1024x32xbf16>, vector<1024x32xf32>, vector<1024x1024xf32> -> vector<1024x1024xf32>
    %mul3A_100 = arith.mulf %get3A_97, %get3A_97 : vector<1024x32xf32>
    %reduce_sum3A_101 = arith.constant dense<0.000000e+00> : vector<1024xf32>
    %reduce_sum3A_102 = vector.multi_reduction <add>, %mul3A_100, %reduce_sum3A_101 [1] : vector<1024x32xf32> to vector<1024xf32>
    %broadcast_in_dim3A_103 = vector.shape_cast %reduce_sum3A_102 : vector<1024xf32> to vector<1x1024xf32>
    %mul3A_104 = arith.constant 2.000000e+00 : f32
    %mul3A_105 = vector.broadcast %mul3A_104 : f32 to vector<1024x1024xf32>
    %mul3A_106 = arith.mulf %mul3A_105, %dot_general3A_99 : vector<1024x1024xf32>
    %sub3A_107 = vector.broadcast %broadcast_in_dim3A : vector<1024x1xf32> to vector<1024x1024xf32>
    %sub3A_108 = arith.subf %sub3A_107, %mul3A_106 : vector<1024x1024xf32>
    %add3A_109 = vector.broadcast %broadcast_in_dim3A_103 : vector<1x1024xf32> to vector<1024x1024xf32>
    %add3A_110 = arith.addf %sub3A_108, %add3A_109 : vector<1024x1024xf32>
    %neg3A_111 = arith.constant 0.000000e+00 : f32
    %neg3A_112 = vector.broadcast %neg3A_111 : f32 to vector<1024x1024xf32>
    %neg3A_113 = arith.subf %neg3A_112, %add3A_110 : vector<1024x1024xf32>
    %reduce_max3A_114 = arith.constant dense<0xFF800000> : vector<1024xf32>
    %reduce_max3A_115 = vector.multi_reduction <maximumf>, %neg3A_113, %reduce_max3A_114 [1] : vector<1024x1024xf32> to vector<1024xf32>
    %broadcast_in_dim3A_116 = vector.shape_cast %reduce_max3A_115 : vector<1024xf32> to vector<1024x1xf32>
    %iota3A_117 = tpu.iota {dimensions = array<i32: 1>} : vector<1024x1024xi32>
    %add3A_118 = arith.constant 3072 : i32
    %add3A_119 = vector.broadcast %add3A_118 : i32 to vector<1024x1024xi32>
    %add3A_120 = arith.addi %iota3A_117, %add3A_119 : vector<1024x1024xi32>
    %eq3A_121 = vector.broadcast %broadcast_in_dim3A_116 : vector<1024x1xf32> to vector<1024x1024xf32>
    %eq3A_122 = arith.cmpf oeq, %neg3A_113, %eq3A_121 : vector<1024x1024xf32>
    %jit3A_123 = arith.constant 1073741824 : i32
    %broadcast_in_dim3A_124 = vector.broadcast %jit3A_123 : i32 to vector<1024x1024xi32>
    %select_n3A_125 = arith.select %eq3A_122, %add3A_120, %broadcast_in_dim3A_124 : vector<1024x1024xi1>, vector<1024x1024xi32>
    %reduce_min3A_126 = arith.constant dense<2147483647> : vector<1024xi32>
    %reduce_min3A_127 = vector.multi_reduction <minsi>, %select_n3A_125, %reduce_min3A_126 [1] : vector<1024x1024xi32> to vector<1024xi32>
    %broadcast_in_dim3A_128 = vector.shape_cast %reduce_min3A_127 : vector<1024xi32> to vector<1024x1xi32>
    %get3A_129 = arith.constant 4096 : index
    %get3A_130 = arith.constant 0 : index
    %get3A_131 = vector.load %arg2[%get3A_129, %get3A_130] : memref<8192x32xf32, #tpu.memory_space<vmem>>, vector<1024x32xf32>
    %dot_general3A_132 = arith.constant dense<0.000000e+00> : vector<1024x1024xf32>
    %dot_general3A_133 = tpu.matmul %convert_element_type3A, %get3A_131, %dot_general3A_132 {dimension_numbers = #tpu.dot_dimension_numbers<[1], [1], [0], [0], [0, 0, 1, 0], [], []>, transpose_lhs_hint = false} : vector<1024x32xbf16>, vector<1024x32xf32>, vector<1024x1024xf32> -> vector<1024x1024xf32>
    %mul3A_134 = arith.mulf %get3A_131, %get3A_131 : vector<1024x32xf32>
    %reduce_sum3A_135 = arith.constant dense<0.000000e+00> : vector<1024xf32>
    %reduce_sum3A_136 = vector.multi_reduction <add>, %mul3A_134, %reduce_sum3A_135 [1] : vector<1024x32xf32> to vector<1024xf32>
    %broadcast_in_dim3A_137 = vector.shape_cast %reduce_sum3A_136 : vector<1024xf32> to vector<1x1024xf32>
    %mul3A_138 = arith.constant 2.000000e+00 : f32
    %mul3A_139 = vector.broadcast %mul3A_138 : f32 to vector<1024x1024xf32>
    %mul3A_140 = arith.mulf %mul3A_139, %dot_general3A_133 : vector<1024x1024xf32>
    %sub3A_141 = vector.broadcast %broadcast_in_dim3A : vector<1024x1xf32> to vector<1024x1024xf32>
    %sub3A_142 = arith.subf %sub3A_141, %mul3A_140 : vector<1024x1024xf32>
    %add3A_143 = vector.broadcast %broadcast_in_dim3A_137 : vector<1x1024xf32> to vector<1024x1024xf32>
    %add3A_144 = arith.addf %sub3A_142, %add3A_143 : vector<1024x1024xf32>
    %neg3A_145 = arith.constant 0.000000e+00 : f32
    %neg3A_146 = vector.broadcast %neg3A_145 : f32 to vector<1024x1024xf32>
    %neg3A_147 = arith.subf %neg3A_146, %add3A_144 : vector<1024x1024xf32>
    %reduce_max3A_148 = arith.constant dense<0xFF800000> : vector<1024xf32>
    %reduce_max3A_149 = vector.multi_reduction <maximumf>, %neg3A_147, %reduce_max3A_148 [1] : vector<1024x1024xf32> to vector<1024xf32>
    %broadcast_in_dim3A_150 = vector.shape_cast %reduce_max3A_149 : vector<1024xf32> to vector<1024x1xf32>
    %iota3A_151 = tpu.iota {dimensions = array<i32: 1>} : vector<1024x1024xi32>
    %add3A_152 = arith.constant 4096 : i32
    %add3A_153 = vector.broadcast %add3A_152 : i32 to vector<1024x1024xi32>
    %add3A_154 = arith.addi %iota3A_151, %add3A_153 : vector<1024x1024xi32>
    %eq3A_155 = vector.broadcast %broadcast_in_dim3A_150 : vector<1024x1xf32> to vector<1024x1024xf32>
    %eq3A_156 = arith.cmpf oeq, %neg3A_147, %eq3A_155 : vector<1024x1024xf32>
    %jit3A_157 = arith.constant 1073741824 : i32
    %broadcast_in_dim3A_158 = vector.broadcast %jit3A_157 : i32 to vector<1024x1024xi32>
    %select_n3A_159 = arith.select %eq3A_156, %add3A_154, %broadcast_in_dim3A_158 : vector<1024x1024xi1>, vector<1024x1024xi32>
    %reduce_min3A_160 = arith.constant dense<2147483647> : vector<1024xi32>
    %reduce_min3A_161 = vector.multi_reduction <minsi>, %select_n3A_159, %reduce_min3A_160 [1] : vector<1024x1024xi32> to vector<1024xi32>
    %broadcast_in_dim3A_162 = vector.shape_cast %reduce_min3A_161 : vector<1024xi32> to vector<1024x1xi32>
    %get3A_163 = arith.constant 5120 : index
    %get3A_164 = arith.constant 0 : index
    %get3A_165 = vector.load %arg2[%get3A_163, %get3A_164] : memref<8192x32xf32, #tpu.memory_space<vmem>>, vector<1024x32xf32>
    %dot_general3A_166 = arith.constant dense<0.000000e+00> : vector<1024x1024xf32>
    %dot_general3A_167 = tpu.matmul %convert_element_type3A, %get3A_165, %dot_general3A_166 {dimension_numbers = #tpu.dot_dimension_numbers<[1], [1], [0], [0], [0, 0, 1, 0], [], []>, transpose_lhs_hint = false} : vector<1024x32xbf16>, vector<1024x32xf32>, vector<1024x1024xf32> -> vector<1024x1024xf32>
    %mul3A_168 = arith.mulf %get3A_165, %get3A_165 : vector<1024x32xf32>
    %reduce_sum3A_169 = arith.constant dense<0.000000e+00> : vector<1024xf32>
    %reduce_sum3A_170 = vector.multi_reduction <add>, %mul3A_168, %reduce_sum3A_169 [1] : vector<1024x32xf32> to vector<1024xf32>
    %broadcast_in_dim3A_171 = vector.shape_cast %reduce_sum3A_170 : vector<1024xf32> to vector<1x1024xf32>
    %mul3A_172 = arith.constant 2.000000e+00 : f32
    %mul3A_173 = vector.broadcast %mul3A_172 : f32 to vector<1024x1024xf32>
    %mul3A_174 = arith.mulf %mul3A_173, %dot_general3A_167 : vector<1024x1024xf32>
    %sub3A_175 = vector.broadcast %broadcast_in_dim3A : vector<1024x1xf32> to vector<1024x1024xf32>
    %sub3A_176 = arith.subf %sub3A_175, %mul3A_174 : vector<1024x1024xf32>
    %add3A_177 = vector.broadcast %broadcast_in_dim3A_171 : vector<1x1024xf32> to vector<1024x1024xf32>
    %add3A_178 = arith.addf %sub3A_176, %add3A_177 : vector<1024x1024xf32>
    %neg3A_179 = arith.constant 0.000000e+00 : f32
    %neg3A_180 = vector.broadcast %neg3A_179 : f32 to vector<1024x1024xf32>
    %neg3A_181 = arith.subf %neg3A_180, %add3A_178 : vector<1024x1024xf32>
    %reduce_max3A_182 = arith.constant dense<0xFF800000> : vector<1024xf32>
    %reduce_max3A_183 = vector.multi_reduction <maximumf>, %neg3A_181, %reduce_max3A_182 [1] : vector<1024x1024xf32> to vector<1024xf32>
    %broadcast_in_dim3A_184 = vector.shape_cast %reduce_max3A_183 : vector<1024xf32> to vector<1024x1xf32>
    %iota3A_185 = tpu.iota {dimensions = array<i32: 1>} : vector<1024x1024xi32>
    %add3A_186 = arith.constant 5120 : i32
    %add3A_187 = vector.broadcast %add3A_186 : i32 to vector<1024x1024xi32>
    %add3A_188 = arith.addi %iota3A_185, %add3A_187 : vector<1024x1024xi32>
    %eq3A_189 = vector.broadcast %broadcast_in_dim3A_184 : vector<1024x1xf32> to vector<1024x1024xf32>
    %eq3A_190 = arith.cmpf oeq, %neg3A_181, %eq3A_189 : vector<1024x1024xf32>
    %jit3A_191 = arith.constant 1073741824 : i32
    %broadcast_in_dim3A_192 = vector.broadcast %jit3A_191 : i32 to vector<1024x1024xi32>
    %select_n3A_193 = arith.select %eq3A_190, %add3A_188, %broadcast_in_dim3A_192 : vector<1024x1024xi1>, vector<1024x1024xi32>
    %reduce_min3A_194 = arith.constant dense<2147483647> : vector<1024xi32>
    %reduce_min3A_195 = vector.multi_reduction <minsi>, %select_n3A_193, %reduce_min3A_194 [1] : vector<1024x1024xi32> to vector<1024xi32>
    %broadcast_in_dim3A_196 = vector.shape_cast %reduce_min3A_195 : vector<1024xi32> to vector<1024x1xi32>
    %get3A_197 = arith.constant 6144 : index
    %get3A_198 = arith.constant 0 : index
    %get3A_199 = vector.load %arg2[%get3A_197, %get3A_198] : memref<8192x32xf32, #tpu.memory_space<vmem>>, vector<1024x32xf32>
    %dot_general3A_200 = arith.constant dense<0.000000e+00> : vector<1024x1024xf32>
    %dot_general3A_201 = tpu.matmul %convert_element_type3A, %get3A_199, %dot_general3A_200 {dimension_numbers = #tpu.dot_dimension_numbers<[1], [1], [0], [0], [0, 0, 1, 0], [], []>, transpose_lhs_hint = false} : vector<1024x32xbf16>, vector<1024x32xf32>, vector<1024x1024xf32> -> vector<1024x1024xf32>
    %mul3A_202 = arith.mulf %get3A_199, %get3A_199 : vector<1024x32xf32>
    %reduce_sum3A_203 = arith.constant dense<0.000000e+00> : vector<1024xf32>
    %reduce_sum3A_204 = vector.multi_reduction <add>, %mul3A_202, %reduce_sum3A_203 [1] : vector<1024x32xf32> to vector<1024xf32>
    %broadcast_in_dim3A_205 = vector.shape_cast %reduce_sum3A_204 : vector<1024xf32> to vector<1x1024xf32>
    %mul3A_206 = arith.constant 2.000000e+00 : f32
    %mul3A_207 = vector.broadcast %mul3A_206 : f32 to vector<1024x1024xf32>
    %mul3A_208 = arith.mulf %mul3A_207, %dot_general3A_201 : vector<1024x1024xf32>
    %sub3A_209 = vector.broadcast %broadcast_in_dim3A : vector<1024x1xf32> to vector<1024x1024xf32>
    %sub3A_210 = arith.subf %sub3A_209, %mul3A_208 : vector<1024x1024xf32>
    %add3A_211 = vector.broadcast %broadcast_in_dim3A_205 : vector<1x1024xf32> to vector<1024x1024xf32>
    %add3A_212 = arith.addf %sub3A_210, %add3A_211 : vector<1024x1024xf32>
    %neg3A_213 = arith.constant 0.000000e+00 : f32
    %neg3A_214 = vector.broadcast %neg3A_213 : f32 to vector<1024x1024xf32>
    %neg3A_215 = arith.subf %neg3A_214, %add3A_212 : vector<1024x1024xf32>
    %reduce_max3A_216 = arith.constant dense<0xFF800000> : vector<1024xf32>
    %reduce_max3A_217 = vector.multi_reduction <maximumf>, %neg3A_215, %reduce_max3A_216 [1] : vector<1024x1024xf32> to vector<1024xf32>
    %broadcast_in_dim3A_218 = vector.shape_cast %reduce_max3A_217 : vector<1024xf32> to vector<1024x1xf32>
    %iota3A_219 = tpu.iota {dimensions = array<i32: 1>} : vector<1024x1024xi32>
    %add3A_220 = arith.constant 6144 : i32
    %add3A_221 = vector.broadcast %add3A_220 : i32 to vector<1024x1024xi32>
    %add3A_222 = arith.addi %iota3A_219, %add3A_221 : vector<1024x1024xi32>
    %eq3A_223 = vector.broadcast %broadcast_in_dim3A_218 : vector<1024x1xf32> to vector<1024x1024xf32>
    %eq3A_224 = arith.cmpf oeq, %neg3A_215, %eq3A_223 : vector<1024x1024xf32>
    %jit3A_225 = arith.constant 1073741824 : i32
    %broadcast_in_dim3A_226 = vector.broadcast %jit3A_225 : i32 to vector<1024x1024xi32>
    %select_n3A_227 = arith.select %eq3A_224, %add3A_222, %broadcast_in_dim3A_226 : vector<1024x1024xi1>, vector<1024x1024xi32>
    %reduce_min3A_228 = arith.constant dense<2147483647> : vector<1024xi32>
    %reduce_min3A_229 = vector.multi_reduction <minsi>, %select_n3A_227, %reduce_min3A_228 [1] : vector<1024x1024xi32> to vector<1024xi32>
    %broadcast_in_dim3A_230 = vector.shape_cast %reduce_min3A_229 : vector<1024xi32> to vector<1024x1xi32>
    %get3A_231 = arith.constant 7168 : index
    %get3A_232 = arith.constant 0 : index
    %get3A_233 = vector.load %arg2[%get3A_231, %get3A_232] : memref<8192x32xf32, #tpu.memory_space<vmem>>, vector<1024x32xf32>
    %dot_general3A_234 = arith.constant dense<0.000000e+00> : vector<1024x1024xf32>
    %dot_general3A_235 = tpu.matmul %convert_element_type3A, %get3A_233, %dot_general3A_234 {dimension_numbers = #tpu.dot_dimension_numbers<[1], [1], [0], [0], [0, 0, 1, 0], [], []>, transpose_lhs_hint = false} : vector<1024x32xbf16>, vector<1024x32xf32>, vector<1024x1024xf32> -> vector<1024x1024xf32>
    %mul3A_236 = arith.mulf %get3A_233, %get3A_233 : vector<1024x32xf32>
    %reduce_sum3A_237 = arith.constant dense<0.000000e+00> : vector<1024xf32>
    %reduce_sum3A_238 = vector.multi_reduction <add>, %mul3A_236, %reduce_sum3A_237 [1] : vector<1024x32xf32> to vector<1024xf32>
    %broadcast_in_dim3A_239 = vector.shape_cast %reduce_sum3A_238 : vector<1024xf32> to vector<1x1024xf32>
    %mul3A_240 = arith.constant 2.000000e+00 : f32
    %mul3A_241 = vector.broadcast %mul3A_240 : f32 to vector<1024x1024xf32>
    %mul3A_242 = arith.mulf %mul3A_241, %dot_general3A_235 : vector<1024x1024xf32>
    %sub3A_243 = vector.broadcast %broadcast_in_dim3A : vector<1024x1xf32> to vector<1024x1024xf32>
    %sub3A_244 = arith.subf %sub3A_243, %mul3A_242 : vector<1024x1024xf32>
    %add3A_245 = vector.broadcast %broadcast_in_dim3A_239 : vector<1x1024xf32> to vector<1024x1024xf32>
    %add3A_246 = arith.addf %sub3A_244, %add3A_245 : vector<1024x1024xf32>
    %neg3A_247 = arith.constant 0.000000e+00 : f32
    %neg3A_248 = vector.broadcast %neg3A_247 : f32 to vector<1024x1024xf32>
    %neg3A_249 = arith.subf %neg3A_248, %add3A_246 : vector<1024x1024xf32>
    %reduce_max3A_250 = arith.constant dense<0xFF800000> : vector<1024xf32>
    %reduce_max3A_251 = vector.multi_reduction <maximumf>, %neg3A_249, %reduce_max3A_250 [1] : vector<1024x1024xf32> to vector<1024xf32>
    %broadcast_in_dim3A_252 = vector.shape_cast %reduce_max3A_251 : vector<1024xf32> to vector<1024x1xf32>
    %iota3A_253 = tpu.iota {dimensions = array<i32: 1>} : vector<1024x1024xi32>
    %add3A_254 = arith.constant 7168 : i32
    %add3A_255 = vector.broadcast %add3A_254 : i32 to vector<1024x1024xi32>
    %add3A_256 = arith.addi %iota3A_253, %add3A_255 : vector<1024x1024xi32>
    %eq3A_257 = vector.broadcast %broadcast_in_dim3A_252 : vector<1024x1xf32> to vector<1024x1024xf32>
    %eq3A_258 = arith.cmpf oeq, %neg3A_249, %eq3A_257 : vector<1024x1024xf32>
    %jit3A_259 = arith.constant 1073741824 : i32
    %broadcast_in_dim3A_260 = vector.broadcast %jit3A_259 : i32 to vector<1024x1024xi32>
    %select_n3A_261 = arith.select %eq3A_258, %add3A_256, %broadcast_in_dim3A_260 : vector<1024x1024xi1>, vector<1024x1024xi32>
    %reduce_min3A_262 = arith.constant dense<2147483647> : vector<1024xi32>
    %reduce_min3A_263 = vector.multi_reduction <minsi>, %select_n3A_261, %reduce_min3A_262 [1] : vector<1024x1024xi32> to vector<1024xi32>
    %broadcast_in_dim3A_264 = vector.shape_cast %reduce_min3A_263 : vector<1024xi32> to vector<1024x1xi32>
    %ge3A = arith.cmpf oge, %broadcast_in_dim3A_19, %broadcast_in_dim3A_48 : vector<1024x1xf32>
    %select_n3A_265 = arith.select %ge3A, %broadcast_in_dim3A_19, %broadcast_in_dim3A_48 : vector<1024x1xi1>, vector<1024x1xf32>
    %select_n3A_266 = arith.select %ge3A, %broadcast_in_dim3A_26, %broadcast_in_dim3A_60 : vector<1024x1xi1>, vector<1024x1xi32>
    %ge3A_267 = arith.cmpf oge, %broadcast_in_dim3A_82, %broadcast_in_dim3A_116 : vector<1024x1xf32>
    %select_n3A_268 = arith.select %ge3A_267, %broadcast_in_dim3A_82, %broadcast_in_dim3A_116 : vector<1024x1xi1>, vector<1024x1xf32>
    %select_n3A_269 = arith.select %ge3A_267, %broadcast_in_dim3A_94, %broadcast_in_dim3A_128 : vector<1024x1xi1>, vector<1024x1xi32>
    %ge3A_270 = arith.cmpf oge, %broadcast_in_dim3A_150, %broadcast_in_dim3A_184 : vector<1024x1xf32>
    %select_n3A_271 = arith.select %ge3A_270, %broadcast_in_dim3A_150, %broadcast_in_dim3A_184 : vector<1024x1xi1>, vector<1024x1xf32>
    %select_n3A_272 = arith.select %ge3A_270, %broadcast_in_dim3A_162, %broadcast_in_dim3A_196 : vector<1024x1xi1>, vector<1024x1xi32>
    %ge3A_273 = arith.cmpf oge, %broadcast_in_dim3A_218, %broadcast_in_dim3A_252 : vector<1024x1xf32>
    %select_n3A_274 = arith.select %ge3A_273, %broadcast_in_dim3A_218, %broadcast_in_dim3A_252 : vector<1024x1xi1>, vector<1024x1xf32>
    %select_n3A_275 = arith.select %ge3A_273, %broadcast_in_dim3A_230, %broadcast_in_dim3A_264 : vector<1024x1xi1>, vector<1024x1xi32>
    %convert_element_type3A_276 = arith.truncf %select_n3A_265 : vector<1024x1xf32> to vector<1024x1xbf16>
    %convert_element_type3A_277 = arith.extf %convert_element_type3A_276 : vector<1024x1xbf16> to vector<1024x1xf32>
    %gt3A = arith.cmpf ogt, %select_n3A_268, %convert_element_type3A_277 : vector<1024x1xf32>
    %convert_element_type3A_278 = arith.truncf %select_n3A_268 : vector<1024x1xf32> to vector<1024x1xbf16>
    %convert_element_type3A_279 = arith.extf %convert_element_type3A_278 : vector<1024x1xbf16> to vector<1024x1xf32>
    %select_n3A_280 = arith.select %gt3A, %convert_element_type3A_279, %convert_element_type3A_277 : vector<1024x1xi1>, vector<1024x1xf32>
    %select_n3A_281 = arith.select %gt3A, %select_n3A_268, %select_n3A_265 : vector<1024x1xi1>, vector<1024x1xf32>
    %select_n3A_282 = arith.select %gt3A, %select_n3A_269, %select_n3A_266 : vector<1024x1xi1>, vector<1024x1xi32>
    %gt3A_283 = arith.cmpf ogt, %select_n3A_271, %select_n3A_280 : vector<1024x1xf32>
    %convert_element_type3A_284 = arith.truncf %select_n3A_271 : vector<1024x1xf32> to vector<1024x1xbf16>
    %convert_element_type3A_285 = arith.extf %convert_element_type3A_284 : vector<1024x1xbf16> to vector<1024x1xf32>
    %select_n3A_286 = arith.select %gt3A_283, %convert_element_type3A_285, %select_n3A_280 : vector<1024x1xi1>, vector<1024x1xf32>
    %select_n3A_287 = arith.select %gt3A_283, %select_n3A_271, %select_n3A_281 : vector<1024x1xi1>, vector<1024x1xf32>
    %select_n3A_288 = arith.select %gt3A_283, %select_n3A_272, %select_n3A_282 : vector<1024x1xi1>, vector<1024x1xi32>
    %gt3A_289 = arith.cmpf ogt, %select_n3A_274, %select_n3A_286 : vector<1024x1xf32>
    %select_n3A_290 = arith.select %gt3A_289, %select_n3A_274, %select_n3A_287 : vector<1024x1xi1>, vector<1024x1xf32>
    %select_n3A_291 = arith.select %gt3A_289, %select_n3A_275, %select_n3A_288 : vector<1024x1xi1>, vector<1024x1xi32>
    %reshape3A = vector.shape_cast %select_n3A_291 : vector<1024x1xi32> to vector<1x1x1024xi32>
    %swap3A = arith.constant 0 : index
    %swap3A_292 = arith.constant 0 : index
    %swap3A_293 = arith.constant 0 : index
    %swap3A_294 = vector.load %arg3[%swap3A, %swap3A_292, %swap3A_293] : memref<1x1x1024xi32, #tpu.memory_space<vmem>>, vector<1x1x1024xi32>
    tpu.vector_store %arg3[%swap3A, %swap3A_292, %swap3A_293], %reshape3A {strides = array<i32>} : memref<1x1x1024xi32, #tpu.memory_space<vmem>>, vector<1x1x1024xi32>,
    %neg3A_295 = arith.constant 0.000000e+00 : f32
    %neg3A_296 = vector.broadcast %neg3A_295 : f32 to vector<1024x1xf32>
    %neg3A_297 = arith.subf %neg3A_296, %select_n3A_290 : vector<1024x1xf32>
    %reduce_sum3A_298 = vector.shape_cast %neg3A_297 : vector<1024x1xf32> to vector<1x1024x1xf32>
    %reduce_sum3A_299 = arith.constant dense<0.000000e+00> : vector<1xf32>
    %reduce_sum3A_300 = vector.multi_reduction <add>, %reduce_sum3A_298, %reduce_sum3A_299 [1, 2] : vector<1x1024x1xf32> to vector<1xf32>
    %reduce_sum3A_301 = vector.shape_cast %reduce_sum3A_300 : vector<1xf32> to vector<1x1x1xf32>
    %reduce_sum3A_302 = vector.extract %reduce_sum3A_301[0, 0, 0] : f32 from vector<1x1x1xf32>
    %broadcast_in_dim3A_303 = vector.broadcast %reduce_sum3A_302 : f32 to vector<1x1xf32>
    %eq3A_304 = arith.constant 0 : i32
    %eq3A_305 = arith.cmpi eq, %arg0, %eq3A_304 : i32
    %broadcast_in_dim3A_306 = arith.constant 0.000000e+00 : f32
    %broadcast_in_dim3A_307 = vector.broadcast %broadcast_in_dim3A_306 : f32 to vector<1x1xf32>
    %get3A_308 = arith.constant 0 : index
    %get3A_309 = arith.constant 0 : index
    %get3A_310 = vector.load %arg4[%get3A_308, %get3A_309] : memref<1x1xf32, #tpu.memory_space<vmem>>, vector<1x1xf32>
    %select_n3A_311 = arith.select %eq3A_305, %broadcast_in_dim3A_307, %get3A_310 : vector<1x1xf32>
    %add3A_312 = arith.addf %select_n3A_311, %broadcast_in_dim3A_303 : vector<1x1xf32>
    %div3A = arith.constant 2.500000e-01 : f32
    %div3A_313 = arith.constant 2.621440e+05 : f32
    %div3A_314 = arith.divf %div3A, %div3A_313 : f32
    %eq3A_315 = arith.constant 7 : i32
    %eq3A_316 = arith.cmpi eq, %arg0, %eq3A_315 : i32
    %mul3A_317 = vector.broadcast %div3A_314 : f32 to vector<1x1xf32>
    %mul3A_318 = arith.mulf %add3A_312, %mul3A_317 : vector<1x1xf32>
    %select_n3A_319 = arith.select %eq3A_316, %mul3A_318, %add3A_312 : vector<1x1xf32>
    %swap3A_320 = arith.constant 0 : index
    %swap3A_321 = arith.constant 0 : index
    %swap3A_322 = vector.load %arg4[%swap3A_320, %swap3A_321] : memref<1x1xf32, #tpu.memory_space<vmem>>, vector<1x1xf32>
    tpu.vector_store %arg4[%swap3A_320, %swap3A_321], %select_n3A_319 {strides = array<i32>} : memref<1x1xf32, #tpu.memory_space<vmem>>, vector<1x1xf32>,
    return
  }
  func.func @transform_0(%arg0: i32) -> (i32, i32) {
    %c0_i32 = arith.constant 0 : i32
    %c0_i32_0 = arith.constant 0 : i32
    return %arg0, %c0_i32 : i32, i32
  }
  func.func @transform_1(%arg0: i32) -> (i32, i32) {
    %c0_i32 = arith.constant 0 : i32
    %c0_i32_0 = arith.constant 0 : i32
    %c0_i32_1 = arith.constant 0 : i32
    return %c0_i32, %c0_i32_0 : i32, i32
  }
  func.func @transform_2(%arg0: i32) -> (i32, i32, i32) {
    %c0_i32 = arith.constant 0 : i32
    %c0_i32_0 = arith.constant 0 : i32
    %c0_i32_1 = arith.constant 0 : i32
    return %arg0, %c0_i32, %c0_i32_0 : i32, i32, i32
  }
  func.func @transform_3(%arg0: i32) -> (i32, i32) {
    %c0_i32 = arith.constant 0 : i32
    %c0_i32_0 = arith.constant 0 : i32
    %c0_i32_1 = arith.constant 0 : i32
    return %c0_i32, %c0_i32_0 : i32, i32
  }
}

</mosaic_0001>

<sc_bundles>
// kernel: kernel.4.cloned.1.call-start
scs
__scs_entry_jumppad:
0x0: {  	(pc) =	sbr.rel $0x88, $3  }
0x1: {  	(tag) =	ssettag $0x0;
	lr =	simm.s32 $0x1  }
0x2: {  	[smem:$0x3F9F] =	sst lr;
	_ =	strace $0xD0000000  }
0x3: {  	_ = 	snop  }
0x4: {  	_ = 	snop  }
0x5: {  	_ = 	snop  }
0x6: {  	_ = 	snop  }
0x7: {  	_ = 	snop  }
__scs_overlays_trampoline_lowered:
0x8: {  	[smem:$0x3FAE] =	sst s0  }
0x9: {  	[smem:$0x3FAF] =	sst s1  }
0xa: {  	[smem:$0x3FB0] =	sst s2  }
0xb: {  	[smem:$0x3FB1] =	sst s3  }
0xc: {  	[smem:$0x3FB2] =	sst s4  }
0xd: {  	[smem:$0x3FB3] =	sst s5  }
0xe: {  	[smem:$0x3FB4] =	sst s6  }
0xf: {  	[smem:$0x3FB5] =	sst s7  }
0x10: {  	[smem:$0x3FB6] =	sst s8  }
0x11: {  	[smem:$0x3FB7] =	sst s9;
	s0 =	simm.s32 @!p0 $0x0  }
0x12: {  	s1 =	sld [smem:$0x3F9D];
	s0 =	simm.s32 @p0 $0x1  }
0x13: {  	[smem:$0x3FB8] =	sst s0;
	s0 =	simm.s32 @!p1 $0x0  }
0x14: {  	s2 =	sld [smem:$0x3F9C];
	s0 =	simm.s32 @p1 $0x1  }
0x15: {  	[smem:$0x3FB9] =	sst s0;
	s0 =	simm.s32 @!p2 $0x0  }
0x16: {  	s3 =	sld [smem:$0x3FDB];
	s0 =	simm.s32 @p2 $0x1  }
0x17: {  	s4 =	simm.s32 $0x1BF5;
	[smem:$0x3FBB] =	sst s0  }
0x18: {  	s0 =	sld [smem:$0x3F9E];
	_ =	swait.ge [sflag:s4], $0x0  }
0x19: {  	s7 =	sld [smem:$0x3F9F]  }
0x1a: {  	s8 =	sadd.s32 $0xFFFFE003, lr  }
0x1b: {  	s9 =	sadd.s32 $0xFFFFFEF7, lr;
	s5 =	simm.s32 $0xFFFFFFFF;
	p2 =	slt.u32 s8, $0xFFFFF086  }
0x1c: {  	p1 =	slt.u32 s9, $0xF7A;
	s5 =	simm.s32 @!p2 $0x0  }
0x1d: {  	s5 =	simm.s32 @p1 $0x1;
	p0 =	seq.s32 s7, s2  }
0x1e: {  	s7 =	smul.u32 @!p0 $0xF7A, s2;
	p2 =	seq.s32 @!p0 s5, $0x0  }
0x1f: {  	s9 =	smul.u32 $0xF7A, s1;
	s8 =	simm.s32 @!p0 $0x1BF5;
	p2 =	por !p2, p0  }
0x20: {  	[sflag:s8] =	ssyncset.s32 @!p0 $0xFFFFF086;
	s6 =	sadd.s32 @!p0 s3, s7;
	s7 =	simm.s32 @!p0 $0x108  }
0x21: {  	s3 =	sadd.s32 s3, s9;
	s6 =	sadd.s32 @!p0 $0x88, s6;
	s7 =	simm.s32 @p2 $0x1082  }
0x22: {  	[simem:s7], [sflag:s8] =	dma.local @!p0 [hbm:s6], $0xF7A  }
0x23: {  	s9 =	sor.u32 $0xD0000000, s2;
	s6 =	simm.s32 $0x108;
	_ =	swait.ge @!p0 [sflag:s8], $0x0  }
0x24: {  	s3 =	sadd.s32 $0x88, s3;
	s6 =	simm.s32 @!p1 $0x1082;
	[sflag:s4] =	ssyncset.s32 $0xFFFFF086  }
0x25: {  	[simem:s6], [sflag:s4] =	dma.local [hbm:s3], $0xF7A  }
0x26: {  	[smem:$0x3F9F] =	sst s1;
	(tag) =	ssettag s2;
	_ =	strace s9  }
0x27: {  	s1 =	sld [smem:$0x3FAF]  }
0x28: {  	s2 =	sld [smem:$0x3FB0]  }
0x29: {  	s4 =	sld [smem:$0x3FB2]  }
0x2a: {  	p0 =	seq.s32 s5, $0x0;
	s5 =	sld [smem:$0x3FB3]  }
0x2b: {  	s6 =	sld [smem:$0x3FB4]  }
0x2c: {  	s7 =	sld [smem:$0x3FB5]  }
0x2d: {  	s3 =	simm.s32 $0x108;
	s8 =	sld [smem:$0x3FB6]  }
0x2e: {  	s3 =	simm.s32 @!p0 $0x1082;
	s9 =	sld [smem:$0x3FB7]  }
0x2f: {  	lr =	sadd.s32 s0, s3;
	s0 =	sld [smem:$0x3FAE]  }
0x30: {  	s3 =	sld [smem:$0x3FB1]  }
0x31: {  	[smem:$0x3FBA] =	sst s10  }
0x32: {  	s10 =	sld [smem:$0x3FB8];
	_ =	sdelay $0x3  }
0x33: {  	p0 =	seq.s32 s10, $0x1;
	s10 =	sld [smem:$0x3FBA];
	_ =	sdelay $0x3  }
0x34: {  	[smem:$0x3FBA] =	sst s10  }
0x35: {  	s10 =	sld [smem:$0x3FB9];
	_ =	sdelay $0x3  }
0x36: {  	p1 =	seq.s32 s10, $0x1;
	s10 =	sld [smem:$0x3FBA];
	_ =	sdelay $0x3  }
0x37: {  	[smem:$0x3FBA] =	sst s10  }
0x38: {  	s10 =	sld [smem:$0x3FBB]  }
0x39: {  	_ = 	snop;
	(pc) =	sbr.ind lr, $3  }
0x3a: {  	_ = 	snop  }
0x3b: {  	_ = 	snop  }
0x3c: {  	p2 =	seq.s32 s10, $0x1;
	s10 =	sld [smem:$0x3FBA]  }
0x3d: {  	_ =	shalt  }
0x3e: {  	_ =	shalt  }
0x3f: {  	_ =	shalt  }
0x40: {  	_ =	shalt  }
0x41: {  	_ =	shalt  }
0x42: {  	_ =	shalt  }
0x43: {  	_ =	shalt  }
0x44: {  	_ =	shalt  }
0x45: {  	_ =	shalt  }
0x46: {  	_ =	shalt  }
0x47: {  	_ =	shalt  }
0x48: {  	_ =	shalt  }
0x49: {  	_ =	shalt  }
0x4a: {  	_ =	shalt  }
0x4b: {  	_ =	shalt  }
0x4c: {  	_ =	shalt  }
0x4d: {  	_ =	shalt  }
0x4e: {  	_ =	shalt  }
0x4f: {  	_ =	shalt  }
0x50: {  	_ =	shalt  }
0x51: {  	_ =	shalt  }
0x52: {  	_ =	shalt  }
0x53: {  	_ =	shalt  }
0x54: {  	_ =	shalt  }
0x55: {  	_ =	shalt  }
0x56: {  	_ =	shalt  }
0x57: {  	_ =	shalt  }
0x58: {  	_ =	shalt  }
0x59: {  	_ =	shalt  }
0x5a: {  	_ =	shalt  }
0x5b: {  	_ =	shalt  }
0x5c: {  	_ =	shalt  }
0x5d: {  	_ =	shalt  }
0x5e: {  	_ =	shalt  }
0x5f: {  	_ =	shalt  }
0x60: {  	_ =	shalt  }
0x61: {  	_ =	shalt  }
0x62: {  	_ =	shalt  }
0x63: {  	_ =	shalt  }
0x64: {  	_ =	shalt  }
0x65: {  	_ =	shalt  }
0x66: {  	_ =	shalt  }
0x67: {  	_ =	shalt  }
0x68: {  	_ =	shalt  }
0x69: {  	_ =	shalt  }
0x6a: {  	_ =	shalt  }
0x6b: {  	_ =	shalt  }
0x6c: {  	_ =	shalt  }
0x6d: {  	_ =	shalt  }
0x6e: {  	_ =	shalt  }
0x6f: {  	_ =	shalt  }
0x70: {  	_ =	shalt  }
0x71: {  	_ =	shalt  }
0x72: {  	_ =	shalt  }
0x73: {  	_ =	shalt  }
0x74: {  	_ =	shalt  }
0x75: {  	_ =	shalt  }
0x76: {  	_ =	shalt  }
0x77: {  	_ =	shalt  }
0x78: {  	_ =	shalt  }
0x79: {  	_ =	shalt  }
0x7a: {  	_ =	shalt  }
0x7b: {  	_ =	shalt  }
0x7c: {  	_ =	shalt  }
0x7d: {  	_ =	shalt  }
0x7e: {  	_ =	shalt  }
0x7f: {  	_ =	shalt  }
0x80: {  	_ =	shalt  }
0x81: {  	_ =	shalt  }
0x82: {  	_ =	shalt  }
0x83: {  	_ =	shalt  }
0x84: {  	_ =	shalt  }
0x85: {  	_ =	shalt  }
0x86: {  	_ =	shalt  }
0x87: {  	_ =	shalt  }
.Lfunc_end0:
.L_simem_size_0:
called_computation_lowered:
.L_overlay_start_0:
0x88: {  	s2 =	sld [smem:$0x3FD9]  }
0x89: {  	s3 =	sld [smem:$0x3FFE];
	_ =	sdelay $0x1  }
0x8a: {  	s1 =	srdreg.scid  }
0x8b: {  	s0 =	sand.u32 $0x1, s1  }
0x8c: {  	s14 =	sshll.u32 s0, $0xA;
	s2 =	sadd.s32 s3, s2  }
0x8d: {  	s2 =	sadd.s32 s2, s14  }
0x8e: {  	[smem:$0x3FC6] =	sst s2  }
0x8f: {  	_ = 	snop  }
0x90: {  	s2 =	sld [smem:$0x3FD0];
	_ =	sdelay $0x2  }
0x91: {  	s15 =	simm.s32 $0xA;
	s4 =	simm.s32 $0x10  }
0x92: {  	[smem:s4], [sflag:s15] =	dma.local [hbm:s2], $0x1  }
0x93: {  	_ =	swait.eq [sflag:s15], $0x1  }
0x94: {  	[sflag:s15] =	ssyncset.done $0x0  }
0x95: {  	[sflag:s15] =	ssyncadd.s32 $0xFFFFFFFF  }
0x96: {  	s16 =	sld [smem:$0x10];
	(tm) =	ssettm $0x1  }
0x97: {  	s17 =	sld [smem:$0x3FFB];
	_ =	sdelay $0x3  }
0x98: {  	_ =	strace s17  }
0x99: {  	s3 =	sld [smem:$0x3FFC];
	_ =	sdelay $0x3  }
0x9a: {  	_ =	strace s3  }
0x9b: {  	s3 =	sld [smem:$0x3FFD];
	_ =	sdelay $0x3  }
0x9c: {  	_ =	strace s3  }
0x9d: {  	_ =	strace $0x8FFFFFFF  }
0x9e: {  	s18 =	sld [smem:$0x3FDB];
	_ =	sdelay $0x1  }
0x9f: {  	s19 =	simm.s32 $_scs_section_size  }
0xa0: {  	s5 =	simm.s32 $_size__tile_overlayer_lowered;
	s6 =	simm.s32 $_tile_overlayer_lowered  }
0xa1: {  	s22 =	simm.s32 $0x1BFF;
	s21 =	sshll.u32 s6, $0x1;
	s3 =	sadd.s32 s19, s18  }
0xa2: {  	s7 =	simm.s32 $0x0;
	s20 =	sshll.u32 s5, $0x1;
	s5 =	sadd.s32 s21, s3  }
0xa3: {  	[timem:s7], [sflag:s22] =	dma.local [hbm:s5], s20  }
0xa4: {  	_ =	swait.ge [sflag:s22], s20  }
0xa5: {  	s4 =	ssub.s32 $0x0, s20;
	[sflag:s22] =	ssyncset.done $0x0  }
0xa6: {  	[sflag:s22] =	ssyncadd.s32 s4;
	_ =	sdelay $0x1  }
0xa7: {  	s23 =	simm.s32 $0x1B8B  }
0xa8: {  	_ =	swait.ge [sflag:s23], $0x1  }
0xa9: {  	[sflag:s23] =	ssyncset.done $0x0  }
0xaa: {  	s25 =	simm.s32 $0x1B8E;
	s24 =	sld [smem:$0x3FFE];
	[sflag:s23] =	ssyncadd.s32 $0xFFFFFFFF  }
0xab: {  	s26 =	simm.s32 $execute0_lowered;
	[smem:$0x3FD2] =	sst s25  }
0xac: {  	s5 =	sshll.u32 s26, $0x1;
	_ =	strace $0x80000046;
	[dreg:$0x1] =	wrdreg $0xFFFFFFFF  }
0xad: {  	s28 =	simm.s32 $_size_execute0_lowered;
	s3 =	sadd.s32 s3, s5;
	[dreg:$0x0] =	wrdreg $0x0  }
0xae: {  	s5 =	sshll.u32 s28, $0x1;
	[dreg:$0x2] =	wrdreg s3  }
0xaf: {  	[dreg:$0x3] =	wrdreg s5  }
0xb0: {  	[dreg:$0x4] =	wrdreg $0xC0  }
0xb1: {  	_ =	task [dreg:s7], $0x5FFFF  }
0xb2: {  	[dreg:$0x1] =	wrdreg $0xFFFFFFFF  }
0xb3: {  	[dreg:$0x0] =	wrdreg $0x60  }
0xb4: {  	[dreg:$0x2] =	wrdreg s16  }
0xb5: {  	[dreg:$0x3] =	wrdreg s24  }
0xb6: {  	[dreg:$0x4] =	wrdreg $0x9  }
0xb7: {  	_ =	task.clear_ibuf [dreg:s7], $0x5FFFF;
	_ =	strace $0x90000046  }
0xb8: {  	s29 =	simm.s32 $0x9;
	_ =	strace $0x80000048  }
0xb9: {  	_ =	swait.ge [sflag:s29], $0x1  }
0xba: {  	[sflag:s29] =	ssyncadd.s32 $0xFFFFFFFF  }
0xbb: {  	_ =	strace $0x90000048  }
0xbc: {  	_ =	sfence  }
0xbd: {  	s30 =	sld [smem:$0x0];
	_ =	sdelay $0x2  }
0xbe: {  	s31 =	sshll.u32 s1, $0xD;
	s1 =	sshrl.u32 s1, $0x2  }
0xbf: {  	s3 =	sand.u32 $0x4000, s31;
	s1 =	sadd.s32 s1, s30  }
0xc0: {  	s0 =	sor.u32 s3, s0;
	s1 =	sshll.u32 s1, $0x11  }
0xc1: {  	s0 =	sor.u32 s1, s0  }
0xc2: {  	s0 =	sadd.s32 $0x8F2B, s0  }
0xc3: {  	[sflag:s0] =	ssyncadd.remote.s32 $0x1  }
0xc4: {  	_ =	sfence.sel $0xFFFF  }
0xc5: {  	[dreg:$0x0] =	wrdreg $0xFFFFFFFF;
	(pc) =	sbr.abs _section_cstart, $3  }
0xc6: {  	[dreg:$0x1] =	wrdreg $0xFFFFFFFF  }
0xc7: {  	_ =	task.clear_ibuf [dreg:s7], $0x2FFFF;
	_ =	strace $0x9FFFFFFF  }
0xc8: {  	(tm) =	ssettm $0x7FFFFFFF  }
0xc9: {  	_ =	shalt  }
tec
execute0_lowered:
.L_overlay_start_1:
0x0: {  	(tag) =	ssettag $0x1  }
0x1: {  	s1 =	srdreg.scid  }
0x2: {  	s0 =	stileid.u32;
	s9 =	sand.u32 $0x1, s1  }
0x3: {  	s2 =	rddreg [dreg:$0x0];
	s30 =	sshll.u32 s0, $0x9;
	s3 =	sshll.u32 s9, $0x8  }
0x4: {  	s10 =	rddreg [dreg:$0x1];
	s11 =	sor.u32 s3, s30  }
0x5: {  	s1 =	rddreg [dreg:$0x2];
	s3 =	simm.s32 $0x0;
	s4 =	sshrl.u32 s11, $0x3  }
0x6: {  	[smem:$0x7FF] =	sst s3;
	s4 =	sadd.s32 s4, s10  }
0x7: {  	_ =	strace $0x80000047;
	s5 =	sadd.s32 $0xA00, s4;
	s4 =	simm.s32 $0x2  }
0x8: {  	[tilespmem:s3], [sflag:$0x2] =	stream.linear.gather [hbm4b:s5+s3], $0x100, $0x38;
	[tilespmem:$0x2100] =	vst v63  }
0x9: {  	_ =	swait.ge [sflag:s4], $0x100  }
0xa: {  	s6 =	simm.s32 $0x80;
	s7 =	simm.s32 $0x100;
	[sflag:s4] =	ssyncset.done $0x0  }
0xb: {  	s8 =	simm.s32 $0x1;
	s12 =	ssub.s32 $0x2, s9;
	[sflag:s4] =	ssyncadd.s32 $0xFFFFFF00  }
0xc: {  	[tilespmem:s7], [sflag:$0x1] =	stream.indirect.gather [hbm4b:s2+s6], $0x20, s3, s6, $0xb8;
	[tilespmem:$0x2100] =	vst v63  }
0xd: {  	s9 =	simm.s32 $0x1100;
	s13 =	sshrl.u32 s12, $0x1;
	_ =	swait.ge [sflag:s8], $0x1000  }
0xe: {  	s11 =	sshll.u32 s11, $0x2;
	s31 =	ssub.s32 s12, s13;
	[sflag:s8] =	ssyncset.done $0x0  }
0xf: {  	s10 =	sadd.s32 s11, s10;
	s11 =	smax.u32 s31, $0x1;
	[sflag:s8] =	ssyncadd.s32 $0xFFFFF000  }
0x10: {  	[tilespmem:s9], [sflag:$0x1] =	stream.indirect.gather [hbm4b:s2+s6], $0x20, s6, s6, $0xb8;
	[tilespmem:$0x2100] =	vst v63  }
0x11: {  	p0 =	sne.s32 s11, $0x1;
	_ =	swait.ge [sflag:s8], $0x1000  }
.Ltmp0:
0x12: {  	[sflag:s8] =	ssyncset.done $0x0;
	(pc) =	sbr.rel @!p0 .LBB2_2-.Ltmp0, $4  }
0x13: {  	s10 =	sadd.s32 $0xE00, s10;
	[sflag:s8] =	ssyncadd.s32 $0xFFFFF000  }
0x14: {  	[hbm4b:s10+s3] =	stream.linear.scatter [tilespmem:s7], [sflag:$0x2], $0x2000, $0x38;
	[tilespmem:$0x2100] =	vst v63  }
0x15: {  	_ =	swait.ge [sflag:s4], $0x2000  }
0x16: {  	s11 =	sadd.s32 $0xFFFFFFFF, s11;
	[sflag:s4] =	ssyncset.done $0x0  }
.LBB2_1:
0x17: {  	p0 =	sne.s32 s11, $0x1;
	s11 =	sadd.s32 $0xFFFFFFFF, s11;
	[sflag:s4] =	ssyncadd.s32 $0xFFFFE000  }
0x18: {  	[tilespmem:s3], [sflag:$0x2] =	stream.linear.gather [hbm4b:s5+s3], $0x100, $0x38;
	[tilespmem:$0x2100] =	vst v63  }
0x19: {  	_ =	swait.ge [sflag:s4], $0x100  }
0x1a: {  	[sflag:s4] =	ssyncset.done $0x0  }
0x1b: {  	[sflag:s4] =	ssyncadd.s32 $0xFFFFFF00  }
0x1c: {  	[tilespmem:s7], [sflag:$0x1] =	stream.indirect.gather [hbm4b:s2+s6], $0x20, s3, s6, $0xb8;
	[tilespmem:$0x2100] =	vst v63  }
0x1d: {  	_ =	swait.ge [sflag:s8], $0x1000  }
0x1e: {  	[sflag:s8] =	ssyncset.done $0x0  }
0x1f: {  	[sflag:s8] =	ssyncadd.s32 $0xFFFFF000  }
0x20: {  	[tilespmem:s9], [sflag:$0x1] =	stream.indirect.gather [hbm4b:s2+s6], $0x20, s6, s6, $0xb8;
	[tilespmem:$0x2100] =	vst v63  }
0x21: {  	_ =	swait.ge [sflag:s8], $0x1000  }
.Ltmp1:
0x22: {  	[sflag:s8] =	ssyncset.done $0x0;
	(pc) =	sbr.rel @p0 .LBB2_1-.Ltmp1, $4  }
0x23: {  	[sflag:s8] =	ssyncadd.s32 $0xFFFFF000  }
0x24: {  	[hbm4b:s10+s3] =	stream.linear.scatter [tilespmem:s7], [sflag:$0x2], $0x2000, $0x38;
	[tilespmem:$0x2100] =	vst v63  }
0x25: {  	_ =	swait.ge [sflag:s4], $0x2000  }
0x26: {  	[sflag:s4] =	ssyncset.done $0x0  }
.LBB2_2:
0x27: {  	[sflag:s4] =	ssyncadd.s32 $0xFFFFE000  }
0x28: {  	_ =	sfence.sel $0x180000  }
0x29: {  	[bflag:$0x0] =	sbarrier.arrive $0xFFFF  }
0x2a: {  	p0 =	sne.s32 s0, $0x0;
	_ =	strace $0x90000047  }
0x2b: {  	s0 =	sadd.s32 @!p0 $0x100000, s1;
	[bflag:$0x2] =	sbarrier.arrive $0xFFFF  }
0x2c: {  	[sflag:s0] =	ssyncadd.tile.s32 @!p0 $0x1;
	_ =	shalt  }
.Lfunc_end2:
_tile_overlayer_lowered:
.L_overlay_start_2:
0x2d: {  	(tag) =	ssettag $0x2  }
0x2e: {  	s0 =	rddreg [dreg:$0x0];
	s2 =	stileid.u32  }
0x2f: {  	s1 =	rddreg [dreg:$0x1];
	p0 =	sne.s32 s2, $0x0  }
0x30: {  	s3 =	rddreg [dreg:$0x2];
	[bflag:$0x3] =	sbarrier.arrive $0xFFFF;
	s2 =	simm.s32 @!p0 $0x1C02  }
0x31: {  	[timem:s3], [sflag:s2] =	dma.local @!p0 [hbm:s0], s1  }
0x32: {  	s0 =	simm.s32 @!p0 $0x2  }
0x33: {  	_ =	swait.ge @!p0 [sflag:s0], s1  }
0x34: {  	s1 =	ssub.s32 @!p0 $0x0, s1;
	[sflag:s0] =	ssyncset.done @!p0 $0x0  }
0x35: {  	[sflag:s0] =	ssyncadd.s32 @!p0 s1  }
0x36: {  	[bflag:$0x3] =	sbarrier.arrive $0xFFFF  }
0x37: {  	_ =	shalt  }

</sc_bundles>
